<compile_context>
chip_gen: v7x
topology: tpu7x:2x2x1
jax: 0.10.2.dev20260603
libtpu: 0.0.44.dev20260713+nightly
codegen_flags: <defaults>
</compile_context>

<pallas_src>
import functools

import jax
import jax.numpy as jnp
from jax import lax
from jax.experimental import pallas as pl
from jax.experimental.pallas import tpu as pltpu
from jax.experimental.pallas import tpu_sc as plsc

D = 128
NUM_CORES = 2
NUM_SUBCORES = 16
NUM_WORKERS = NUM_CORES * NUM_SUBCORES
CHUNK = 64
NBUF = 4
EPS = 1e-5
LN_BLOCK = 8192



def _gather_body(n_chunks, x2_hbm, table_hbm, out_hbm,
                 idx_all, rows_0, rows_1, rows_2, rows_3,
                 gsem_0, gsem_1, gsem_2, gsem_3,
                 ssem_0, ssem_1, ssem_2, ssem_3):
    wid = lax.axis_index("s") * NUM_CORES + lax.axis_index("c")
    rbase = wid * n_chunks * CHUNK

    rows = (rows_0, rows_1, rows_2, rows_3)
    gsem = (gsem_0, gsem_1, gsem_2, gsem_3)
    ssem = (ssem_0, ssem_1, ssem_2, ssem_3)

    pltpu.sync_copy(x2_hbm.at[wid], idx_all)

    def gather_desc(c, p):
        return pltpu.make_async_copy(table_hbm.at[idx_all.at[c]], rows[p],
                                     gsem[p])

    def scatter_desc(c, p):
        return pltpu.make_async_copy(
            rows[p], out_hbm.at[pl.ds(rbase + c * CHUNK, CHUNK)], ssem[p])

    gather_desc(0, 0).start()
    gather_desc(1, 1).start()
    gather_desc(2, 2).start()

    n_groups = n_chunks // NBUF

    def group_body(i, carry):
        for j in range(NBUF):
            c = NBUF * i + j
            pj = (j + 3) % NBUF
            gather_desc(c, j).wait()
            scatter_desc(c, j).start()

            @pl.when(c + 3 < n_chunks)
            def _():
                @pl.when(i + j > 0)
                def _():
                    scatter_desc(c - 1, pj).wait()
                gather_desc(c + 3, pj).start()

        return carry

    lax.fori_loop(0, n_groups, group_body, 0)

    for k in range(NBUF):
        c = n_chunks - NBUF + k
        scatter_desc(c, c % NBUF).wait()


def _sc_gather(x2, table, total):
    n_chunks = (total // NUM_WORKERS) // CHUNK
    assert n_chunks % NBUF == 0
    mesh = plsc.VectorSubcoreMesh(
        core_axis_name="c", subcore_axis_name="s",
        num_cores=NUM_CORES, num_subcores=NUM_SUBCORES)
    fn = pl.kernel(
        functools.partial(_gather_body, n_chunks),
        out_type=jax.ShapeDtypeStruct((total, D), jnp.float32),
        mesh=mesh,
        scratch_types=(
            [pltpu.VMEM((n_chunks, CHUNK), jnp.int32)]
            + [pltpu.VMEM((CHUNK, D), jnp.float32)] * NBUF
            + [pltpu.SemaphoreType.DMA] * (2 * NBUF)
        ),
        compiler_params=pltpu.CompilerParams(needs_layout_passes=False,
                                             use_tc_tiling_on_sc=True),
    )
    return fn(x2, table)



def _ln_block_kernel(emb_ref, lnw_ref, lnb_ref, out_ref):
    emb = emb_ref[...]
    ones = jnp.full((D, D), 1.0 / D, jnp.float32)
    mean = lax.dot_general(emb, ones, (((1,), (0,)), ((), ())),
                           preferred_element_type=jnp.float32)
    msq = lax.dot_general(emb * emb, ones, (((1,), (0,)), ((), ())),
                          preferred_element_type=jnp.float32)
    var = msq - mean * mean
    rstd = lax.rsqrt(var + EPS)
    out_ref[...] = (emb - mean) * rstd * lnw_ref[...] + lnb_ref[...]


def _tc_layernorm(emb, ln_w, ln_b, nrows, block):
    grid = nrows // block
    return pl.pallas_call(
        _ln_block_kernel,
        grid=(grid,),
        in_specs=[
            pl.BlockSpec((block, D), lambda i: (i, 0)),
            pl.BlockSpec((1, D), lambda i: (0, 0)),
            pl.BlockSpec((1, D), lambda i: (0, 0)),
        ],
        out_specs=pl.BlockSpec((block, D), lambda i: (i, 0)),
        out_shape=jax.ShapeDtypeStruct((nrows, D), jnp.float32),
    )(emb, ln_w.reshape(1, D), ln_b.reshape(1, D))


def kernel(x, table, ln_w, ln_b):
    b, s = x.shape
    total = b * s
    assert total % (NUM_WORKERS * CHUNK) == 0
    n_chunks = (total // NUM_WORKERS) // CHUNK

    xt = jnp.transpose(x).reshape(NUM_WORKERS, n_chunks, CHUNK)
    v, _ = table.shape
    normed = _tc_layernorm(table, ln_w, ln_b, v, 10000)
    out = _sc_gather(xt, normed, total)
    return jnp.transpose(out.reshape(s, b, D), (1, 0, 2))

# --- scband reference (transcript-rebuilt; emitter-appended) ---
"""Pipeline reference for scband-gene-encoder-9869834846784 (READ-ONLY COPY).

The authoritative reference and input builder live on the scoring server;
editing this copy changes nothing except your own understanding.
"""

import jax, jax.numpy as jnp
import numpy as np

NUM_EMB = 100000
EMB_DIM = 128
BATCH = 4096
SEQ = 50
EPS = 1e-5

def setup_inputs(seed: int = 0) -> dict:
    key = jax.random.key(seed)
    k1, k2 = jax.random.split(key)
    x = jax.random.randint(k1, (BATCH, SEQ), 0, NUM_EMB, dtype=jnp.int32)
    table = jax.random.normal(k2, (NUM_EMB, EMB_DIM), dtype=jnp.float32)
    ln_w = jnp.ones((EMB_DIM,), dtype=jnp.float32)
    ln_b = jnp.zeros((EMB_DIM,), dtype=jnp.float32)
    return {"x": x, "table": table, "ln_w": ln_w, "ln_b": ln_b}

def reference(x, table, ln_w, ln_b):
    # nn.Embedding lookup (gather)
    emb = jnp.take(table, x, axis=0)  # [B, S, D]
    # nn.LayerNorm over last dim
    mean = jnp.mean(emb, axis=-1, keepdims=True)
    var = jnp.mean(jnp.square(emb - mean), axis=-1, keepdims=True)
    normed = (emb - mean) / jnp.sqrt(var + EPS)
    return normed * ln_w + ln_b

if __name__ == "__main__":
    import jax
    _d = setup_inputs()
    print(jax.jit(kernel)(*tuple(_d.values())))

</pallas_src>

<mosaic_0001>
#map = affine_map<(d0, d1) -> (0, 0, 0)>
#map1 = affine_map<(d0, d1) -> (0, 0)>
module attributes {stable_mosaic.version = 14 : i64} {
  func.func @_gather_body(%arg0: i32, %arg1: i32, %arg2: memref<32x100x64xi32, #tpu.memory_space<hbm>>, %arg3: memref<100000x128xf32, #tpu.memory_space<hbm>>, %arg4: memref<204800x128xf32, #tpu.memory_space<hbm>>, %arg5: memref<100x64xi32, #tpu.memory_space<vmem>>, %arg6: memref<64x128xf32, #tpu.memory_space<vmem>>, %arg7: memref<64x128xf32, #tpu.memory_space<vmem>>, %arg8: memref<64x128xf32, #tpu.memory_space<vmem>>, %arg9: memref<64x128xf32, #tpu.memory_space<vmem>>, %arg10: memref<!tpu.dma_semaphore, #tpu.memory_space<semaphore_mem>>, %arg11: memref<!tpu.dma_semaphore, #tpu.memory_space<semaphore_mem>>, %arg12: memref<!tpu.dma_semaphore, #tpu.memory_space<semaphore_mem>>, %arg13: memref<!tpu.dma_semaphore, #tpu.memory_space<semaphore_mem>>, %arg14: memref<!tpu.dma_semaphore, #tpu.memory_space<semaphore_mem>>, %arg15: memref<!tpu.dma_semaphore, #tpu.memory_space<semaphore_mem>>, %arg16: memref<!tpu.dma_semaphore, #tpu.memory_space<semaphore_mem>>, %arg17: memref<!tpu.dma_semaphore, #tpu.memory_space<semaphore_mem>>) attributes {dimension_semantics = [#tpu.dimension_semantics<core_parallel>, #tpu.dimension_semantics<subcore_parallel>], iteration_bounds = array<i64: 2, 16>, scalar_prefetch = 0 : i64, scratch_operands = 13 : i64, tpu.core_type = #tpu.core_type<sc_vector_subcore>, window_params = [{transform_indices = #map}, {transform_indices = #map1}, {transform_indices = #map1}]} {
    %mul3A = arith.constant 2 : i32
    %mul3A_0 = arith.muli %arg1, %mul3A : i32
    %add3A = arith.addi %mul3A_0, %arg0 : i32
    %mul3A_1 = arith.constant 100 : i32
    %mul3A_2 = arith.muli %add3A, %mul3A_1 : i32
    %mul3A_3 = arith.constant 64 : i32
    %mul3A_4 = arith.muli %mul3A_2, %mul3A_3 : i32
    "tpu.region"() ({
      %run_scoped3A = tpu.sem_alloc : memref<!tpu.dma_semaphore, #tpu.memory_space<semaphore_mem>>
      %dma_start3A_53 = arith.constant 0 : i32
      %dma_start3A_54 = arith.constant 0 : i32
      %dma_start3A_55 = tpu.memref_slice %arg2[%add3A, %dma_start3A_53, %dma_start3A_54] : memref<32x100x64xi32, #tpu.memory_space<hbm>> -> memref<1x100x64xi32, #tpu.memory_space<hbm>>
      %dma_start3A_56 = tpu.memref_squeeze %dma_start3A_55 : memref<1x100x64xi32, #tpu.memory_space<hbm>> -> memref<100x64xi32, #tpu.memory_space<hbm>>
      %dma_start3A_57 = arith.constant 0 : i32
      %dma_start3A_58 = arith.constant 0 : i32
      %dma_start3A_59 = tpu.memref_slice %arg2[%add3A, %dma_start3A_57, %dma_start3A_58] : memref<32x100x64xi32, #tpu.memory_space<hbm>> -> memref<1x100x64xi32, #tpu.memory_space<hbm>>
      %dma_start3A_60 = tpu.memref_squeeze %dma_start3A_59 : memref<1x100x64xi32, #tpu.memory_space<hbm>> -> memref<100x64xi32, #tpu.memory_space<hbm>>
      tpu.enqueue_dma source(%dma_start3A_60 : memref<100x64xi32, #tpu.memory_space<hbm>>) target(%arg5 : memref<100x64xi32, #tpu.memory_space<vmem>>) target_semaphore(%run_scoped3A : memref<!tpu.dma_semaphore, #tpu.memory_space<semaphore_mem>>)
      %dma_wait3A_61 = arith.constant 0 : i32
      %dma_wait3A_62 = arith.constant 0 : i32
      %dma_wait3A_63 = tpu.memref_slice %arg2[%add3A, %dma_wait3A_61, %dma_wait3A_62] : memref<32x100x64xi32, #tpu.memory_space<hbm>> -> memref<1x100x64xi32, #tpu.memory_space<hbm>>
      %dma_wait3A_64 = tpu.memref_squeeze %dma_wait3A_63 : memref<1x100x64xi32, #tpu.memory_space<hbm>> -> memref<100x64xi32, #tpu.memory_space<hbm>>
      %dma_wait3A_65 = arith.constant 0 : i32
      %dma_wait3A_66 = arith.constant 0 : i32
      %dma_wait3A_67 = tpu.memref_slice %arg2[%add3A, %dma_wait3A_65, %dma_wait3A_66] : memref<32x100x64xi32, #tpu.memory_space<hbm>> -> memref<1x100x64xi32, #tpu.memory_space<hbm>>
      %dma_wait3A_68 = tpu.memref_squeeze %dma_wait3A_67 : memref<1x100x64xi32, #tpu.memory_space<hbm>> -> memref<100x64xi32, #tpu.memory_space<hbm>>
      tpu.wait_dma2 semaphore(%run_scoped3A : memref<!tpu.dma_semaphore, #tpu.memory_space<semaphore_mem>>) src(%dma_wait3A_68 : memref<100x64xi32, #tpu.memory_space<hbm>>) dst(%arg5 : memref<100x64xi32, #tpu.memory_space<vmem>>)
      tpu.yield
    }) : () -> ()
    %dma_start3A = arith.constant 0 : i32
    %dma_start3A_5 = arith.constant 0 : i32
    %dma_start3A_6 = tpu.memref_slice %arg5[%dma_start3A, %dma_start3A_5] : memref<100x64xi32, #tpu.memory_space<vmem>> -> memref<1x64xi32, #tpu.memory_space<vmem>>
    %dma_start3A_7 = tpu.memref_squeeze %dma_start3A_6 : memref<1x64xi32, #tpu.memory_space<vmem>> -> memref<64xi32, #tpu.memory_space<vmem>>
    %dma_start3A_8 = arith.constant 0 : i32
    %dma_start3A_9 = arith.constant 0 : i32
    %dma_start3A_10 = tpu.memref_slice %arg3[%dma_start3A_8, %dma_start3A_9] : memref<100000x128xf32, #tpu.memory_space<hbm>> -> memref<100000x128xf32, #tpu.memory_space<hbm>>
    tpu.enqueue_indirect_dma source(%dma_start3A_10 : memref<100000x128xf32, #tpu.memory_space<hbm>>) target(%arg6 : memref<64x128xf32, #tpu.memory_space<vmem>>) offsets(%dma_start3A_7 : memref<64xi32, #tpu.memory_space<vmem>>) semaphore(%arg10 : memref<!tpu.dma_semaphore, #tpu.memory_space<semaphore_mem>>)
    %dma_start3A_11 = arith.constant 1 : i32
    %dma_start3A_12 = arith.constant 0 : i32
    %dma_start3A_13 = tpu.memref_slice %arg5[%dma_start3A_11, %dma_start3A_12] : memref<100x64xi32, #tpu.memory_space<vmem>> -> memref<1x64xi32, #tpu.memory_space<vmem>>
    %dma_start3A_14 = tpu.memref_squeeze %dma_start3A_13 : memref<1x64xi32, #tpu.memory_space<vmem>> -> memref<64xi32, #tpu.memory_space<vmem>>
    %dma_start3A_15 = arith.constant 0 : i32
    %dma_start3A_16 = arith.constant 0 : i32
    %dma_start3A_17 = tpu.memref_slice %arg3[%dma_start3A_15, %dma_start3A_16] : memref<100000x128xf32, #tpu.memory_space<hbm>> -> memref<100000x128xf32, #tpu.memory_space<hbm>>
    tpu.enqueue_indirect_dma source(%dma_start3A_17 : memref<100000x128xf32, #tpu.memory_space<hbm>>) target(%arg7 : memref<64x128xf32, #tpu.memory_space<vmem>>) offsets(%dma_start3A_14 : memref<64xi32, #tpu.memory_space<vmem>>) semaphore(%arg11 : memref<!tpu.dma_semaphore, #tpu.memory_space<semaphore_mem>>)
    %dma_start3A_18 = arith.constant 2 : i32
    %dma_start3A_19 = arith.constant 0 : i32
    %dma_start3A_20 = tpu.memref_slice %arg5[%dma_start3A_18, %dma_start3A_19] : memref<100x64xi32, #tpu.memory_space<vmem>> -> memref<1x64xi32, #tpu.memory_space<vmem>>
    %dma_start3A_21 = tpu.memref_squeeze %dma_start3A_20 : memref<1x64xi32, #tpu.memory_space<vmem>> -> memref<64xi32, #tpu.memory_space<vmem>>
    %dma_start3A_22 = arith.constant 0 : i32
    %dma_start3A_23 = arith.constant 0 : i32
    %dma_start3A_24 = tpu.memref_slice %arg3[%dma_start3A_22, %dma_start3A_23] : memref<100000x128xf32, #tpu.memory_space<hbm>> -> memref<100000x128xf32, #tpu.memory_space<hbm>>
    tpu.enqueue_indirect_dma source(%dma_start3A_24 : memref<100000x128xf32, #tpu.memory_space<hbm>>) target(%arg8 : memref<64x128xf32, #tpu.memory_space<vmem>>) offsets(%dma_start3A_21 : memref<64xi32, #tpu.memory_space<vmem>>) semaphore(%arg12 : memref<!tpu.dma_semaphore, #tpu.memory_space<semaphore_mem>>)
    %scan3A = arith.constant 0 : i32
    %scan3A_25 = arith.constant 0 : i32
    %scan3A_26 = arith.constant 25 : i32
    %scan3A_27 = arith.addi %scan3A_25, %scan3A_26 : i32
    %scan3A_28 = arith.constant 1 : i32
    scf.for %scan3A_53 = %scan3A_25 to %scan3A_27 step %scan3A_28  : i32 {
      %mul3A_54 = arith.constant 4 : i32
      %mul3A_55 = arith.muli %mul3A_54, %scan3A_53 : i32
      %add3A_56 = arith.constant 0 : i32
      %add3A_57 = arith.addi %mul3A_55, %add3A_56 : i32
      %dma_wait3A_58 = arith.constant 0 : i32
      %dma_wait3A_59 = tpu.memref_slice %arg5[%add3A_57, %dma_wait3A_58] : memref<100x64xi32, #tpu.memory_space<vmem>> -> memref<1x64xi32, #tpu.memory_space<vmem>>
      %dma_wait3A_60 = tpu.memref_squeeze %dma_wait3A_59 : memref<1x64xi32, #tpu.memory_space<vmem>> -> memref<64xi32, #tpu.memory_space<vmem>>
      %dma_wait3A_61 = arith.constant 0 : i32
      %dma_wait3A_62 = arith.constant 0 : i32
      %dma_wait3A_63 = tpu.memref_slice %arg3[%dma_wait3A_61, %dma_wait3A_62] : memref<100000x128xf32, #tpu.memory_space<hbm>> -> memref<100000x128xf32, #tpu.memory_space<hbm>>
      tpu.wait_indirect_dma semaphore(%arg10 : memref<!tpu.dma_semaphore, #tpu.memory_space<semaphore_mem>>) src(%dma_wait3A_63 : memref<100000x128xf32, #tpu.memory_space<hbm>>) dst(%arg6 : memref<64x128xf32, #tpu.memory_space<vmem>>)
      %mul3A_64 = arith.constant 64 : i32
      %mul3A_65 = arith.muli %add3A_57, %mul3A_64 : i32
      %add3A_66 = arith.addi %mul3A_4, %mul3A_65 : i32
      %dma_start3A_67 = arith.constant 0 : i32
      %dma_start3A_68 = tpu.memref_slice %arg4[%add3A_66, %dma_start3A_67] : memref<204800x128xf32, #tpu.memory_space<hbm>> -> memref<64x128xf32, #tpu.memory_space<hbm>>
      %dma_start3A_69 = arith.constant 0 : i32
      %dma_start3A_70 = tpu.memref_slice %arg4[%add3A_66, %dma_start3A_69] : memref<204800x128xf32, #tpu.memory_space<hbm>> -> memref<64x128xf32, #tpu.memory_space<hbm>>
      tpu.enqueue_dma source(%arg6 : memref<64x128xf32, #tpu.memory_space<vmem>>) target(%dma_start3A_70 : memref<64x128xf32, #tpu.memory_space<hbm>>) target_semaphore(%arg14 : memref<!tpu.dma_semaphore, #tpu.memory_space<semaphore_mem>>)
      %add3A_71 = arith.constant 3 : i32
      %add3A_72 = arith.addi %add3A_57, %add3A_71 : i32
      %lt3A = arith.constant 100 : i32
      %lt3A_73 = arith.cmpi slt, %add3A_72, %lt3A : i32
      %convert_element_type3A = arith.extui %lt3A_73 : i1 to i32
      %cond3A = arith.constant 0 : i32
      %cond3A_74 = arith.cmpi ne, %convert_element_type3A, %cond3A : i32
      scf.if %cond3A_74 {
        %add3A_147 = arith.constant 0 : i32
        %add3A_148 = arith.addi %scan3A_53, %add3A_147 : i32
        %gt3A = arith.constant 0 : i32
        %gt3A_149 = arith.cmpi sgt, %add3A_148, %gt3A : i32
        %convert_element_type3A_150 = arith.extui %gt3A_149 : i1 to i32
        %cond3A_151 = arith.constant 0 : i32
        %cond3A_152 = arith.cmpi ne, %convert_element_type3A_150, %cond3A_151 : i32
        scf.if %cond3A_152 {
          %sub3A = arith.constant 1 : i32
          %sub3A_161 = arith.subi %add3A_57, %sub3A : i32
          %mul3A_162 = arith.constant 64 : i32
          %mul3A_163 = arith.muli %sub3A_161, %mul3A_162 : i32
          %add3A_164 = arith.addi %mul3A_4, %mul3A_163 : i32
          %dma_wait3A_165 = arith.constant 0 : i32
          %dma_wait3A_166 = tpu.memref_slice %arg4[%add3A_164, %dma_wait3A_165] : memref<204800x128xf32, #tpu.memory_space<hbm>> -> memref<64x128xf32, #tpu.memory_space<hbm>>
          %dma_wait3A_167 = arith.constant 0 : i32
          %dma_wait3A_168 = tpu.memref_slice %arg4[%add3A_164, %dma_wait3A_167] : memref<204800x128xf32, #tpu.memory_space<hbm>> -> memref<64x128xf32, #tpu.memory_space<hbm>>
          tpu.wait_dma2 semaphore(%arg17 : memref<!tpu.dma_semaphore, #tpu.memory_space<semaphore_mem>>) src(%arg9 : memref<64x128xf32, #tpu.memory_space<vmem>>) dst(%dma_wait3A_168 : memref<64x128xf32, #tpu.memory_space<hbm>>)
        } else {
        }
        %add3A_153 = arith.constant 3 : i32
        %add3A_154 = arith.addi %add3A_57, %add3A_153 : i32
        %dma_start3A_155 = arith.constant 0 : i32
        %dma_start3A_156 = tpu.memref_slice %arg5[%add3A_154, %dma_start3A_155] : memref<100x64xi32, #tpu.memory_space<vmem>> -> memref<1x64xi32, #tpu.memory_space<vmem>>
        %dma_start3A_157 = tpu.memref_squeeze %dma_start3A_156 : memref<1x64xi32, #tpu.memory_space<vmem>> -> memref<64xi32, #tpu.memory_space<vmem>>
        %dma_start3A_158 = arith.constant 0 : i32
        %dma_start3A_159 = arith.constant 0 : i32
        %dma_start3A_160 = tpu.memref_slice %arg3[%dma_start3A_158, %dma_start3A_159] : memref<100000x128xf32, #tpu.memory_space<hbm>> -> memref<100000x128xf32, #tpu.memory_space<hbm>>
        tpu.enqueue_indirect_dma source(%dma_start3A_160 : memref<100000x128xf32, #tpu.memory_space<hbm>>) target(%arg9 : memref<64x128xf32, #tpu.memory_space<vmem>>) offsets(%dma_start3A_157 : memref<64xi32, #tpu.memory_space<vmem>>) semaphore(%arg13 : memref<!tpu.dma_semaphore, #tpu.memory_space<semaphore_mem>>)
      } else {
      }
      %mul3A_75 = arith.constant 4 : i32
      %mul3A_76 = arith.muli %mul3A_75, %scan3A_53 : i32
      %add3A_77 = arith.constant 1 : i32
      %add3A_78 = arith.addi %mul3A_76, %add3A_77 : i32
      %dma_wait3A_79 = arith.constant 0 : i32
      %dma_wait3A_80 = tpu.memref_slice %arg5[%add3A_78, %dma_wait3A_79] : memref<100x64xi32, #tpu.memory_space<vmem>> -> memref<1x64xi32, #tpu.memory_space<vmem>>
      %dma_wait3A_81 = tpu.memref_squeeze %dma_wait3A_80 : memref<1x64xi32, #tpu.memory_space<vmem>> -> memref<64xi32, #tpu.memory_space<vmem>>
      %dma_wait3A_82 = arith.constant 0 : i32
      %dma_wait3A_83 = arith.constant 0 : i32
      %dma_wait3A_84 = tpu.memref_slice %arg3[%dma_wait3A_82, %dma_wait3A_83] : memref<100000x128xf32, #tpu.memory_space<hbm>> -> memref<100000x128xf32, #tpu.memory_space<hbm>>
      tpu.wait_indirect_dma semaphore(%arg11 : memref<!tpu.dma_semaphore, #tpu.memory_space<semaphore_mem>>) src(%dma_wait3A_84 : memref<100000x128xf32, #tpu.memory_space<hbm>>) dst(%arg7 : memref<64x128xf32, #tpu.memory_space<vmem>>)
      %mul3A_85 = arith.constant 64 : i32
      %mul3A_86 = arith.muli %add3A_78, %mul3A_85 : i32
      %add3A_87 = arith.addi %mul3A_4, %mul3A_86 : i32
      %dma_start3A_88 = arith.constant 0 : i32
      %dma_start3A_89 = tpu.memref_slice %arg4[%add3A_87, %dma_start3A_88] : memref<204800x128xf32, #tpu.memory_space<hbm>> -> memref<64x128xf32, #tpu.memory_space<hbm>>
      %dma_start3A_90 = arith.constant 0 : i32
      %dma_start3A_91 = tpu.memref_slice %arg4[%add3A_87, %dma_start3A_90] : memref<204800x128xf32, #tpu.memory_space<hbm>> -> memref<64x128xf32, #tpu.memory_space<hbm>>
      tpu.enqueue_dma source(%arg7 : memref<64x128xf32, #tpu.memory_space<vmem>>) target(%dma_start3A_91 : memref<64x128xf32, #tpu.memory_space<hbm>>) target_semaphore(%arg15 : memref<!tpu.dma_semaphore, #tpu.memory_space<semaphore_mem>>)
      %add3A_92 = arith.constant 3 : i32
      %add3A_93 = arith.addi %add3A_78, %add3A_92 : i32
      %lt3A_94 = arith.constant 100 : i32
      %lt3A_95 = arith.cmpi slt, %add3A_93, %lt3A_94 : i32
      %convert_element_type3A_96 = arith.extui %lt3A_95 : i1 to i32
      %cond3A_97 = arith.constant 0 : i32
      %cond3A_98 = arith.cmpi ne, %convert_element_type3A_96, %cond3A_97 : i32
      scf.if %cond3A_98 {
        %add3A_147 = arith.constant 1 : i32
        %add3A_148 = arith.addi %scan3A_53, %add3A_147 : i32
        %gt3A = arith.constant 0 : i32
        %gt3A_149 = arith.cmpi sgt, %add3A_148, %gt3A : i32
        %convert_element_type3A_150 = arith.extui %gt3A_149 : i1 to i32
        %cond3A_151 = arith.constant 0 : i32
        %cond3A_152 = arith.cmpi ne, %convert_element_type3A_150, %cond3A_151 : i32
        scf.if %cond3A_152 {
          %sub3A = arith.constant 1 : i32
          %sub3A_161 = arith.subi %add3A_78, %sub3A : i32
          %mul3A_162 = arith.constant 64 : i32
          %mul3A_163 = arith.muli %sub3A_161, %mul3A_162 : i32
          %add3A_164 = arith.addi %mul3A_4, %mul3A_163 : i32
          %dma_wait3A_165 = arith.constant 0 : i32
          %dma_wait3A_166 = tpu.memref_slice %arg4[%add3A_164, %dma_wait3A_165] : memref<204800x128xf32, #tpu.memory_space<hbm>> -> memref<64x128xf32, #tpu.memory_space<hbm>>
          %dma_wait3A_167 = arith.constant 0 : i32
          %dma_wait3A_168 = tpu.memref_slice %arg4[%add3A_164, %dma_wait3A_167] : memref<204800x128xf32, #tpu.memory_space<hbm>> -> memref<64x128xf32, #tpu.memory_space<hbm>>
          tpu.wait_dma2 semaphore(%arg14 : memref<!tpu.dma_semaphore, #tpu.memory_space<semaphore_mem>>) src(%arg6 : memref<64x128xf32, #tpu.memory_space<vmem>>) dst(%dma_wait3A_168 : memref<64x128xf32, #tpu.memory_space<hbm>>)
        } else {
        }
        %add3A_153 = arith.constant 3 : i32
        %add3A_154 = arith.addi %add3A_78, %add3A_153 : i32
        %dma_start3A_155 = arith.constant 0 : i32
        %dma_start3A_156 = tpu.memref_slice %arg5[%add3A_154, %dma_start3A_155] : memref<100x64xi32, #tpu.memory_space<vmem>> -> memref<1x64xi32, #tpu.memory_space<vmem>>
        %dma_start3A_157 = tpu.memref_squeeze %dma_start3A_156 : memref<1x64xi32, #tpu.memory_space<vmem>> -> memref<64xi32, #tpu.memory_space<vmem>>
        %dma_start3A_158 = arith.constant 0 : i32
        %dma_start3A_159 = arith.constant 0 : i32
        %dma_start3A_160 = tpu.memref_slice %arg3[%dma_start3A_158, %dma_start3A_159] : memref<100000x128xf32, #tpu.memory_space<hbm>> -> memref<100000x128xf32, #tpu.memory_space<hbm>>
        tpu.enqueue_indirect_dma source(%dma_start3A_160 : memref<100000x128xf32, #tpu.memory_space<hbm>>) target(%arg6 : memref<64x128xf32, #tpu.memory_space<vmem>>) offsets(%dma_start3A_157 : memref<64xi32, #tpu.memory_space<vmem>>) semaphore(%arg10 : memref<!tpu.dma_semaphore, #tpu.memory_space<semaphore_mem>>)
      } else {
      }
      %mul3A_99 = arith.constant 4 : i32
      %mul3A_100 = arith.muli %mul3A_99, %scan3A_53 : i32
      %add3A_101 = arith.constant 2 : i32
      %add3A_102 = arith.addi %mul3A_100, %add3A_101 : i32
      %dma_wait3A_103 = arith.constant 0 : i32
      %dma_wait3A_104 = tpu.memref_slice %arg5[%add3A_102, %dma_wait3A_103] : memref<100x64xi32, #tpu.memory_space<vmem>> -> memref<1x64xi32, #tpu.memory_space<vmem>>
      %dma_wait3A_105 = tpu.memref_squeeze %dma_wait3A_104 : memref<1x64xi32, #tpu.memory_space<vmem>> -> memref<64xi32, #tpu.memory_space<vmem>>
      %dma_wait3A_106 = arith.constant 0 : i32
      %dma_wait3A_107 = arith.constant 0 : i32
      %dma_wait3A_108 = tpu.memref_slice %arg3[%dma_wait3A_106, %dma_wait3A_107] : memref<100000x128xf32, #tpu.memory_space<hbm>> -> memref<100000x128xf32, #tpu.memory_space<hbm>>
      tpu.wait_indirect_dma semaphore(%arg12 : memref<!tpu.dma_semaphore, #tpu.memory_space<semaphore_mem>>) src(%dma_wait3A_108 : memref<100000x128xf32, #tpu.memory_space<hbm>>) dst(%arg8 : memref<64x128xf32, #tpu.memory_space<vmem>>)
      %mul3A_109 = arith.constant 64 : i32
      %mul3A_110 = arith.muli %add3A_102, %mul3A_109 : i32
      %add3A_111 = arith.addi %mul3A_4, %mul3A_110 : i32
      %dma_start3A_112 = arith.constant 0 : i32
      %dma_start3A_113 = tpu.memref_slice %arg4[%add3A_111, %dma_start3A_112] : memref<204800x128xf32, #tpu.memory_space<hbm>> -> memref<64x128xf32, #tpu.memory_space<hbm>>
      %dma_start3A_114 = arith.constant 0 : i32
      %dma_start3A_115 = tpu.memref_slice %arg4[%add3A_111, %dma_start3A_114] : memref<204800x128xf32, #tpu.memory_space<hbm>> -> memref<64x128xf32, #tpu.memory_space<hbm>>
      tpu.enqueue_dma source(%arg8 : memref<64x128xf32, #tpu.memory_space<vmem>>) target(%dma_start3A_115 : memref<64x128xf32, #tpu.memory_space<hbm>>) target_semaphore(%arg16 : memref<!tpu.dma_semaphore, #tpu.memory_space<semaphore_mem>>)
      %add3A_116 = arith.constant 3 : i32
      %add3A_117 = arith.addi %add3A_102, %add3A_116 : i32
      %lt3A_118 = arith.constant 100 : i32
      %lt3A_119 = arith.cmpi slt, %add3A_117, %lt3A_118 : i32
      %convert_element_type3A_120 = arith.extui %lt3A_119 : i1 to i32
      %cond3A_121 = arith.constant 0 : i32
      %cond3A_122 = arith.cmpi ne, %convert_element_type3A_120, %cond3A_121 : i32
      scf.if %cond3A_122 {
        %add3A_147 = arith.constant 2 : i32
        %add3A_148 = arith.addi %scan3A_53, %add3A_147 : i32
        %gt3A = arith.constant 0 : i32
        %gt3A_149 = arith.cmpi sgt, %add3A_148, %gt3A : i32
        %convert_element_type3A_150 = arith.extui %gt3A_149 : i1 to i32
        %cond3A_151 = arith.constant 0 : i32
        %cond3A_152 = arith.cmpi ne, %convert_element_type3A_150, %cond3A_151 : i32
        scf.if %cond3A_152 {
          %sub3A = arith.constant 1 : i32
          %sub3A_161 = arith.subi %add3A_102, %sub3A : i32
          %mul3A_162 = arith.constant 64 : i32
          %mul3A_163 = arith.muli %sub3A_161, %mul3A_162 : i32
          %add3A_164 = arith.addi %mul3A_4, %mul3A_163 : i32
          %dma_wait3A_165 = arith.constant 0 : i32
          %dma_wait3A_166 = tpu.memref_slice %arg4[%add3A_164, %dma_wait3A_165] : memref<204800x128xf32, #tpu.memory_space<hbm>> -> memref<64x128xf32, #tpu.memory_space<hbm>>
          %dma_wait3A_167 = arith.constant 0 : i32
          %dma_wait3A_168 = tpu.memref_slice %arg4[%add3A_164, %dma_wait3A_167] : memref<204800x128xf32, #tpu.memory_space<hbm>> -> memref<64x128xf32, #tpu.memory_space<hbm>>
          tpu.wait_dma2 semaphore(%arg15 : memref<!tpu.dma_semaphore, #tpu.memory_space<semaphore_mem>>) src(%arg7 : memref<64x128xf32, #tpu.memory_space<vmem>>) dst(%dma_wait3A_168 : memref<64x128xf32, #tpu.memory_space<hbm>>)
        } else {
        }
        %add3A_153 = arith.constant 3 : i32
        %add3A_154 = arith.addi %add3A_102, %add3A_153 : i32
        %dma_start3A_155 = arith.constant 0 : i32
        %dma_start3A_156 = tpu.memref_slice %arg5[%add3A_154, %dma_start3A_155] : memref<100x64xi32, #tpu.memory_space<vmem>> -> memref<1x64xi32, #tpu.memory_space<vmem>>
        %dma_start3A_157 = tpu.memref_squeeze %dma_start3A_156 : memref<1x64xi32, #tpu.memory_space<vmem>> -> memref<64xi32, #tpu.memory_space<vmem>>
        %dma_start3A_158 = arith.constant 0 : i32
        %dma_start3A_159 = arith.constant 0 : i32
        %dma_start3A_160 = tpu.memref_slice %arg3[%dma_start3A_158, %dma_start3A_159] : memref<100000x128xf32, #tpu.memory_space<hbm>> -> memref<100000x128xf32, #tpu.memory_space<hbm>>
        tpu.enqueue_indirect_dma source(%dma_start3A_160 : memref<100000x128xf32, #tpu.memory_space<hbm>>) target(%arg7 : memref<64x128xf32, #tpu.memory_space<vmem>>) offsets(%dma_start3A_157 : memref<64xi32, #tpu.memory_space<vmem>>) semaphore(%arg11 : memref<!tpu.dma_semaphore, #tpu.memory_space<semaphore_mem>>)
      } else {
      }
      %mul3A_123 = arith.constant 4 : i32
      %mul3A_124 = arith.muli %mul3A_123, %scan3A_53 : i32
      %add3A_125 = arith.constant 3 : i32
      %add3A_126 = arith.addi %mul3A_124, %add3A_125 : i32
      %dma_wait3A_127 = arith.constant 0 : i32
      %dma_wait3A_128 = tpu.memref_slice %arg5[%add3A_126, %dma_wait3A_127] : memref<100x64xi32, #tpu.memory_space<vmem>> -> memref<1x64xi32, #tpu.memory_space<vmem>>
      %dma_wait3A_129 = tpu.memref_squeeze %dma_wait3A_128 : memref<1x64xi32, #tpu.memory_space<vmem>> -> memref<64xi32, #tpu.memory_space<vmem>>
      %dma_wait3A_130 = arith.constant 0 : i32
      %dma_wait3A_131 = arith.constant 0 : i32
      %dma_wait3A_132 = tpu.memref_slice %arg3[%dma_wait3A_130, %dma_wait3A_131] : memref<100000x128xf32, #tpu.memory_space<hbm>> -> memref<100000x128xf32, #tpu.memory_space<hbm>>
      tpu.wait_indirect_dma semaphore(%arg13 : memref<!tpu.dma_semaphore, #tpu.memory_space<semaphore_mem>>) src(%dma_wait3A_132 : memref<100000x128xf32, #tpu.memory_space<hbm>>) dst(%arg9 : memref<64x128xf32, #tpu.memory_space<vmem>>)
      %mul3A_133 = arith.constant 64 : i32
      %mul3A_134 = arith.muli %add3A_126, %mul3A_133 : i32
      %add3A_135 = arith.addi %mul3A_4, %mul3A_134 : i32
      %dma_start3A_136 = arith.constant 0 : i32
      %dma_start3A_137 = tpu.memref_slice %arg4[%add3A_135, %dma_start3A_136] : memref<204800x128xf32, #tpu.memory_space<hbm>> -> memref<64x128xf32, #tpu.memory_space<hbm>>
      %dma_start3A_138 = arith.constant 0 : i32
      %dma_start3A_139 = tpu.memref_slice %arg4[%add3A_135, %dma_start3A_138] : memref<204800x128xf32, #tpu.memory_space<hbm>> -> memref<64x128xf32, #tpu.memory_space<hbm>>
      tpu.enqueue_dma source(%arg9 : memref<64x128xf32, #tpu.memory_space<vmem>>) target(%dma_start3A_139 : memref<64x128xf32, #tpu.memory_space<hbm>>) target_semaphore(%arg17 : memref<!tpu.dma_semaphore, #tpu.memory_space<semaphore_mem>>)
      %add3A_140 = arith.constant 3 : i32
      %add3A_141 = arith.addi %add3A_126, %add3A_140 : i32
      %lt3A_142 = arith.constant 100 : i32
      %lt3A_143 = arith.cmpi slt, %add3A_141, %lt3A_142 : i32
      %convert_element_type3A_144 = arith.extui %lt3A_143 : i1 to i32
      %cond3A_145 = arith.constant 0 : i32
      %cond3A_146 = arith.cmpi ne, %convert_element_type3A_144, %cond3A_145 : i32
      scf.if %cond3A_146 {
        %add3A_147 = arith.constant 3 : i32
        %add3A_148 = arith.addi %scan3A_53, %add3A_147 : i32
        %gt3A = arith.constant 0 : i32
        %gt3A_149 = arith.cmpi sgt, %add3A_148, %gt3A : i32
        %convert_element_type3A_150 = arith.extui %gt3A_149 : i1 to i32
        %cond3A_151 = arith.constant 0 : i32
        %cond3A_152 = arith.cmpi ne, %convert_element_type3A_150, %cond3A_151 : i32
        scf.if %cond3A_152 {
          %sub3A = arith.constant 1 : i32
          %sub3A_161 = arith.subi %add3A_126, %sub3A : i32
          %mul3A_162 = arith.constant 64 : i32
          %mul3A_163 = arith.muli %sub3A_161, %mul3A_162 : i32
          %add3A_164 = arith.addi %mul3A_4, %mul3A_163 : i32
          %dma_wait3A_165 = arith.constant 0 : i32
          %dma_wait3A_166 = tpu.memref_slice %arg4[%add3A_164, %dma_wait3A_165] : memref<204800x128xf32, #tpu.memory_space<hbm>> -> memref<64x128xf32, #tpu.memory_space<hbm>>
          %dma_wait3A_167 = arith.constant 0 : i32
          %dma_wait3A_168 = tpu.memref_slice %arg4[%add3A_164, %dma_wait3A_167] : memref<204800x128xf32, #tpu.memory_space<hbm>> -> memref<64x128xf32, #tpu.memory_space<hbm>>
          tpu.wait_dma2 semaphore(%arg16 : memref<!tpu.dma_semaphore, #tpu.memory_space<semaphore_mem>>) src(%arg8 : memref<64x128xf32, #tpu.memory_space<vmem>>) dst(%dma_wait3A_168 : memref<64x128xf32, #tpu.memory_space<hbm>>)
        } else {
        }
        %add3A_153 = arith.constant 3 : i32
        %add3A_154 = arith.addi %add3A_126, %add3A_153 : i32
        %dma_start3A_155 = arith.constant 0 : i32
        %dma_start3A_156 = tpu.memref_slice %arg5[%add3A_154, %dma_start3A_155] : memref<100x64xi32, #tpu.memory_space<vmem>> -> memref<1x64xi32, #tpu.memory_space<vmem>>
        %dma_start3A_157 = tpu.memref_squeeze %dma_start3A_156 : memref<1x64xi32, #tpu.memory_space<vmem>> -> memref<64xi32, #tpu.memory_space<vmem>>
        %dma_start3A_158 = arith.constant 0 : i32
        %dma_start3A_159 = arith.constant 0 : i32
        %dma_start3A_160 = tpu.memref_slice %arg3[%dma_start3A_158, %dma_start3A_159] : memref<100000x128xf32, #tpu.memory_space<hbm>> -> memref<100000x128xf32, #tpu.memory_space<hbm>>
        tpu.enqueue_indirect_dma source(%dma_start3A_160 : memref<100000x128xf32, #tpu.memory_space<hbm>>) target(%arg8 : memref<64x128xf32, #tpu.memory_space<vmem>>) offsets(%dma_start3A_157 : memref<64xi32, #tpu.memory_space<vmem>>) semaphore(%arg12 : memref<!tpu.dma_semaphore, #tpu.memory_space<semaphore_mem>>)
      } else {
      }
    }
    %scan3A_29 = arith.constant 25 : i32
    %add3A_30 = arith.constant 6144 : i32
    %add3A_31 = arith.addi %mul3A_4, %add3A_30 : i32
    %dma_wait3A = arith.constant 0 : i32
    %dma_wait3A_32 = tpu.memref_slice %arg4[%add3A_31, %dma_wait3A] : memref<204800x128xf32, #tpu.memory_space<hbm>> -> memref<64x128xf32, #tpu.memory_space<hbm>>
    %dma_wait3A_33 = arith.constant 0 : i32
    %dma_wait3A_34 = tpu.memref_slice %arg4[%add3A_31, %dma_wait3A_33] : memref<204800x128xf32, #tpu.memory_space<hbm>> -> memref<64x128xf32, #tpu.memory_space<hbm>>
    tpu.wait_dma2 semaphore(%arg14 : memref<!tpu.dma_semaphore, #tpu.memory_space<semaphore_mem>>) src(%arg6 : memref<64x128xf32, #tpu.memory_space<vmem>>) dst(%dma_wait3A_34 : memref<64x128xf32, #tpu.memory_space<hbm>>)
    %add3A_35 = arith.constant 6208 : i32
    %add3A_36 = arith.addi %mul3A_4, %add3A_35 : i32
    %dma_wait3A_37 = arith.constant 0 : i32
    %dma_wait3A_38 = tpu.memref_slice %arg4[%add3A_36, %dma_wait3A_37] : memref<204800x128xf32, #tpu.memory_space<hbm>> -> memref<64x128xf32, #tpu.memory_space<hbm>>
    %dma_wait3A_39 = arith.constant 0 : i32
    %dma_wait3A_40 = tpu.memref_slice %arg4[%add3A_36, %dma_wait3A_39] : memref<204800x128xf32, #tpu.memory_space<hbm>> -> memref<64x128xf32, #tpu.memory_space<hbm>>
    tpu.wait_dma2 semaphore(%arg15 : memref<!tpu.dma_semaphore, #tpu.memory_space<semaphore_mem>>) src(%arg7 : memref<64x128xf32, #tpu.memory_space<vmem>>) dst(%dma_wait3A_40 : memref<64x128xf32, #tpu.memory_space<hbm>>)
    %add3A_41 = arith.constant 6272 : i32
    %add3A_42 = arith.addi %mul3A_4, %add3A_41 : i32
    %dma_wait3A_43 = arith.constant 0 : i32
    %dma_wait3A_44 = tpu.memref_slice %arg4[%add3A_42, %dma_wait3A_43] : memref<204800x128xf32, #tpu.memory_space<hbm>> -> memref<64x128xf32, #tpu.memory_space<hbm>>
    %dma_wait3A_45 = arith.constant 0 : i32
    %dma_wait3A_46 = tpu.memref_slice %arg4[%add3A_42, %dma_wait3A_45] : memref<204800x128xf32, #tpu.memory_space<hbm>> -> memref<64x128xf32, #tpu.memory_space<hbm>>
    tpu.wait_dma2 semaphore(%arg16 : memref<!tpu.dma_semaphore, #tpu.memory_space<semaphore_mem>>) src(%arg8 : memref<64x128xf32, #tpu.memory_space<vmem>>) dst(%dma_wait3A_46 : memref<64x128xf32, #tpu.memory_space<hbm>>)
    %add3A_47 = arith.constant 6336 : i32
    %add3A_48 = arith.addi %mul3A_4, %add3A_47 : i32
    %dma_wait3A_49 = arith.constant 0 : i32
    %dma_wait3A_50 = tpu.memref_slice %arg4[%add3A_48, %dma_wait3A_49] : memref<204800x128xf32, #tpu.memory_space<hbm>> -> memref<64x128xf32, #tpu.memory_space<hbm>>
    %dma_wait3A_51 = arith.constant 0 : i32
    %dma_wait3A_52 = tpu.memref_slice %arg4[%add3A_48, %dma_wait3A_51] : memref<204800x128xf32, #tpu.memory_space<hbm>> -> memref<64x128xf32, #tpu.memory_space<hbm>>
    tpu.wait_dma2 semaphore(%arg17 : memref<!tpu.dma_semaphore, #tpu.memory_space<semaphore_mem>>) src(%arg9 : memref<64x128xf32, #tpu.memory_space<vmem>>) dst(%dma_wait3A_52 : memref<64x128xf32, #tpu.memory_space<hbm>>)
    return
  }
}

module attributes {stable_mosaic.version = 14 : i64} {
  func.func @_ln_block_kernel(%arg0: i32, %arg1: memref<10000x128xf32, #tpu.memory_space<vmem>>, %arg2: memref<1x128xf32, #tpu.memory_space<vmem>>, %arg3: memref<1x128xf32, #tpu.memory_space<vmem>>, %arg4: memref<10000x128xf32, #tpu.memory_space<vmem>>) attributes {dimension_semantics = [#tpu.dimension_semantics<arbitrary>], iteration_bounds = array<i64: 10>, scalar_prefetch = 0 : i64, scratch_operands = 0 : i64, tpu.core_type = #tpu.core_type<tc>, window_params = [{transform_indices = @transform_0, window_bounds = array<i64: 10000, 128>}, {pipeline_mode = #tpu.pipeline_mode<synchronous>, transform_indices = @transform_1, window_bounds = array<i64: 1, 128>}, {pipeline_mode = #tpu.pipeline_mode<synchronous>, transform_indices = @transform_2, window_bounds = array<i64: 1, 128>}, {transform_indices = @transform_3, window_bounds = array<i64: 10000, 128>}]} {
    %get3A = arith.constant 0 : index
    %get3A_0 = arith.constant 0 : index
    %get3A_1 = vector.load %arg1[%get3A, %get3A_0] : memref<10000x128xf32, #tpu.memory_space<vmem>>, vector<10000x128xf32>
    %broadcast_in_dim3A = arith.constant 7.812500e-03 : f32
    %broadcast_in_dim3A_2 = vector.broadcast %broadcast_in_dim3A : f32 to vector<128x128xf32>
    %dot_general3A = arith.constant dense<0.000000e+00> : vector<10000x128xf32>
    %dot_general3A_3 = tpu.matmul %get3A_1, %broadcast_in_dim3A_2, %dot_general3A {dimension_numbers = #tpu.dot_dimension_numbers<[1], [0], [0], [1], [0, 0, 1, 1], [], []>, transpose_lhs_hint = false} : vector<10000x128xf32>, vector<128x128xf32>, vector<10000x128xf32> -> vector<10000x128xf32>
    %mul3A = arith.mulf %get3A_1, %get3A_1 : vector<10000x128xf32>
    %dot_general3A_4 = arith.constant dense<0.000000e+00> : vector<10000x128xf32>
    %dot_general3A_5 = tpu.matmul %mul3A, %broadcast_in_dim3A_2, %dot_general3A_4 {dimension_numbers = #tpu.dot_dimension_numbers<[1], [0], [0], [1], [0, 0, 1, 1], [], []>, transpose_lhs_hint = false} : vector<10000x128xf32>, vector<128x128xf32>, vector<10000x128xf32> -> vector<10000x128xf32>
    %mul3A_6 = arith.mulf %dot_general3A_3, %dot_general3A_3 : vector<10000x128xf32>
    %sub3A = arith.subf %dot_general3A_5, %mul3A_6 : vector<10000x128xf32>
    %add3A = arith.constant 9.99999974E-6 : f32
    %add3A_7 = vector.broadcast %add3A : f32 to vector<10000x128xf32>
    %add3A_8 = arith.addf %sub3A, %add3A_7 : vector<10000x128xf32>
    %rsqrt3A = math.rsqrt %add3A_8 : vector<10000x128xf32>
    %sub3A_9 = arith.subf %get3A_1, %dot_general3A_3 : vector<10000x128xf32>
    %mul3A_10 = arith.mulf %sub3A_9, %rsqrt3A : vector<10000x128xf32>
    %get3A_11 = arith.constant 0 : index
    %get3A_12 = arith.constant 0 : index
    %get3A_13 = vector.load %arg2[%get3A_11, %get3A_12] : memref<1x128xf32, #tpu.memory_space<vmem>>, vector<1x128xf32>
    %mul3A_14 = vector.broadcast %get3A_13 : vector<1x128xf32> to vector<10000x128xf32>
    %mul3A_15 = arith.mulf %mul3A_10, %mul3A_14 : vector<10000x128xf32>
    %get3A_16 = arith.constant 0 : index
    %get3A_17 = arith.constant 0 : index
    %get3A_18 = vector.load %arg3[%get3A_16, %get3A_17] : memref<1x128xf32, #tpu.memory_space<vmem>>, vector<1x128xf32>
    %add3A_19 = vector.broadcast %get3A_18 : vector<1x128xf32> to vector<10000x128xf32>
    %add3A_20 = arith.addf %mul3A_15, %add3A_19 : vector<10000x128xf32>
    %swap3A = arith.constant 0 : index
    %swap3A_21 = arith.constant 0 : index
    %swap3A_22 = vector.load %arg4[%swap3A, %swap3A_21] : memref<10000x128xf32, #tpu.memory_space<vmem>>, vector<10000x128xf32>
    tpu.vector_store %arg4[%swap3A, %swap3A_21], %add3A_20 {strides = array<i32>} : memref<10000x128xf32, #tpu.memory_space<vmem>>, vector<10000x128xf32>,
    return
  }
  func.func @transform_0(%arg0: i32) -> (i32, i32) {
    %c0_i32 = arith.constant 0 : i32
    %c0_i32_0 = arith.constant 0 : i32
    return %arg0, %c0_i32 : i32, i32
  }
  func.func @transform_1(%arg0: i32) -> (i32, i32) {
    %c0_i32 = arith.constant 0 : i32
    %c0_i32_0 = arith.constant 0 : i32
    %c0_i32_1 = arith.constant 0 : i32
    return %c0_i32, %c0_i32_0 : i32, i32
  }
  func.func @transform_2(%arg0: i32) -> (i32, i32) {
    %c0_i32 = arith.constant 0 : i32
    %c0_i32_0 = arith.constant 0 : i32
    %c0_i32_1 = arith.constant 0 : i32
    return %c0_i32, %c0_i32_0 : i32, i32
  }
  func.func @transform_3(%arg0: i32) -> (i32, i32) {
    %c0_i32 = arith.constant 0 : i32
    %c0_i32_0 = arith.constant 0 : i32
    return %arg0, %c0_i32 : i32, i32
  }
}

</mosaic_0001>

<sc_bundles>
// kernel: kernel.4.cloned.1.call-start
scs
__scs_entry_jumppad:
0x0: {  	(pc) =	sbr.rel $0x88, $3  }
0x1: {  	(tag) =	ssettag $0x0;
	lr =	simm.s32 $0x1  }
0x2: {  	[smem:$0x3F9D] =	sst lr;
	_ =	strace $0xD0000000  }
0x3: {  	_ = 	snop  }
0x4: {  	_ = 	snop  }
0x5: {  	_ = 	snop  }
0x6: {  	_ = 	snop  }
0x7: {  	_ = 	snop  }
__scs_overlays_trampoline_lowered:
0x8: {  	[smem:$0x3FAC] =	sst s0  }
0x9: {  	[smem:$0x3FAD] =	sst s1  }
0xa: {  	[smem:$0x3FAE] =	sst s2  }
0xb: {  	[smem:$0x3FAF] =	sst s3  }
0xc: {  	[smem:$0x3FB0] =	sst s4  }
0xd: {  	[smem:$0x3FB1] =	sst s5  }
0xe: {  	[smem:$0x3FB2] =	sst s6  }
0xf: {  	[smem:$0x3FB3] =	sst s7  }
0x10: {  	[smem:$0x3FB4] =	sst s8  }
0x11: {  	[smem:$0x3FB5] =	sst s9;
	s0 =	simm.s32 @!p0 $0x0  }
0x12: {  	s1 =	sld [smem:$0x3F9B];
	s0 =	simm.s32 @p0 $0x1  }
0x13: {  	[smem:$0x3FB6] =	sst s0;
	s0 =	simm.s32 @!p1 $0x0  }
0x14: {  	s2 =	sld [smem:$0x3F9A];
	s0 =	simm.s32 @p1 $0x1  }
0x15: {  	[smem:$0x3FB7] =	sst s0;
	s0 =	simm.s32 @!p2 $0x0  }
0x16: {  	s3 =	sld [smem:$0x3FDB];
	s0 =	simm.s32 @p2 $0x1  }
0x17: {  	s4 =	simm.s32 $0x1BF5;
	[smem:$0x3FB9] =	sst s0  }
0x18: {  	s0 =	sld [smem:$0x3F9C];
	_ =	swait.ge [sflag:s4], $0x0  }
0x19: {  	s7 =	sld [smem:$0x3F9D]  }
0x1a: {  	s8 =	sadd.s32 $0xFFFFE003, lr  }
0x1b: {  	s9 =	sadd.s32 $0xFFFFFEF7, lr;
	s5 =	simm.s32 $0xFFFFFFFF;
	p2 =	slt.u32 s8, $0xFFFFF086  }
0x1c: {  	p1 =	slt.u32 s9, $0xF7A;
	s5 =	simm.s32 @!p2 $0x0  }
0x1d: {  	s5 =	simm.s32 @p1 $0x1;
	p0 =	seq.s32 s7, s2  }
0x1e: {  	s7 =	smul.u32 @!p0 $0xF7A, s2;
	p2 =	seq.s32 @!p0 s5, $0x0  }
0x1f: {  	s9 =	smul.u32 $0xF7A, s1;
	s8 =	simm.s32 @!p0 $0x1BF5;
	p2 =	por !p2, p0  }
0x20: {  	[sflag:s8] =	ssyncset.s32 @!p0 $0xFFFFF086;
	s6 =	sadd.s32 @!p0 s3, s7;
	s7 =	simm.s32 @!p0 $0x108  }
0x21: {  	s3 =	sadd.s32 s3, s9;
	s6 =	sadd.s32 @!p0 $0x88, s6;
	s7 =	simm.s32 @p2 $0x1082  }
0x22: {  	[simem:s7], [sflag:s8] =	dma.local @!p0 [hbm:s6], $0xF7A  }
0x23: {  	s9 =	sor.u32 $0xD0000000, s2;
	s6 =	simm.s32 $0x108;
	_ =	swait.ge @!p0 [sflag:s8], $0x0  }
0x24: {  	s3 =	sadd.s32 $0x88, s3;
	s6 =	simm.s32 @!p1 $0x1082;
	[sflag:s4] =	ssyncset.s32 $0xFFFFF086  }
0x25: {  	[simem:s6], [sflag:s4] =	dma.local [hbm:s3], $0xF7A  }
0x26: {  	[smem:$0x3F9D] =	sst s1;
	(tag) =	ssettag s2;
	_ =	strace s9  }
0x27: {  	s1 =	sld [smem:$0x3FAD]  }
0x28: {  	s2 =	sld [smem:$0x3FAE]  }
0x29: {  	s4 =	sld [smem:$0x3FB0]  }
0x2a: {  	p0 =	seq.s32 s5, $0x0;
	s5 =	sld [smem:$0x3FB1]  }
0x2b: {  	s6 =	sld [smem:$0x3FB2]  }
0x2c: {  	s7 =	sld [smem:$0x3FB3]  }
0x2d: {  	s3 =	simm.s32 $0x108;
	s8 =	sld [smem:$0x3FB4]  }
0x2e: {  	s3 =	simm.s32 @!p0 $0x1082;
	s9 =	sld [smem:$0x3FB5]  }
0x2f: {  	lr =	sadd.s32 s0, s3;
	s0 =	sld [smem:$0x3FAC]  }
0x30: {  	s3 =	sld [smem:$0x3FAF]  }
0x31: {  	[smem:$0x3FB8] =	sst s10  }
0x32: {  	s10 =	sld [smem:$0x3FB6];
	_ =	sdelay $0x3  }
0x33: {  	p0 =	seq.s32 s10, $0x1;
	s10 =	sld [smem:$0x3FB8];
	_ =	sdelay $0x3  }
0x34: {  	[smem:$0x3FB8] =	sst s10  }
0x35: {  	s10 =	sld [smem:$0x3FB7];
	_ =	sdelay $0x3  }
0x36: {  	p1 =	seq.s32 s10, $0x1;
	s10 =	sld [smem:$0x3FB8];
	_ =	sdelay $0x3  }
0x37: {  	[smem:$0x3FB8] =	sst s10  }
0x38: {  	s10 =	sld [smem:$0x3FB9]  }
0x39: {  	_ = 	snop;
	(pc) =	sbr.ind lr, $3  }
0x3a: {  	_ = 	snop  }
0x3b: {  	_ = 	snop  }
0x3c: {  	p2 =	seq.s32 s10, $0x1;
	s10 =	sld [smem:$0x3FB8]  }
0x3d: {  	_ =	shalt  }
0x3e: {  	_ =	shalt  }
0x3f: {  	_ =	shalt  }
0x40: {  	_ =	shalt  }
0x41: {  	_ =	shalt  }
0x42: {  	_ =	shalt  }
0x43: {  	_ =	shalt  }
0x44: {  	_ =	shalt  }
0x45: {  	_ =	shalt  }
0x46: {  	_ =	shalt  }
0x47: {  	_ =	shalt  }
0x48: {  	_ =	shalt  }
0x49: {  	_ =	shalt  }
0x4a: {  	_ =	shalt  }
0x4b: {  	_ =	shalt  }
0x4c: {  	_ =	shalt  }
0x4d: {  	_ =	shalt  }
0x4e: {  	_ =	shalt  }
0x4f: {  	_ =	shalt  }
0x50: {  	_ =	shalt  }
0x51: {  	_ =	shalt  }
0x52: {  	_ =	shalt  }
0x53: {  	_ =	shalt  }
0x54: {  	_ =	shalt  }
0x55: {  	_ =	shalt  }
0x56: {  	_ =	shalt  }
0x57: {  	_ =	shalt  }
0x58: {  	_ =	shalt  }
0x59: {  	_ =	shalt  }
0x5a: {  	_ =	shalt  }
0x5b: {  	_ =	shalt  }
0x5c: {  	_ =	shalt  }
0x5d: {  	_ =	shalt  }
0x5e: {  	_ =	shalt  }
0x5f: {  	_ =	shalt  }
0x60: {  	_ =	shalt  }
0x61: {  	_ =	shalt  }
0x62: {  	_ =	shalt  }
0x63: {  	_ =	shalt  }
0x64: {  	_ =	shalt  }
0x65: {  	_ =	shalt  }
0x66: {  	_ =	shalt  }
0x67: {  	_ =	shalt  }
0x68: {  	_ =	shalt  }
0x69: {  	_ =	shalt  }
0x6a: {  	_ =	shalt  }
0x6b: {  	_ =	shalt  }
0x6c: {  	_ =	shalt  }
0x6d: {  	_ =	shalt  }
0x6e: {  	_ =	shalt  }
0x6f: {  	_ =	shalt  }
0x70: {  	_ =	shalt  }
0x71: {  	_ =	shalt  }
0x72: {  	_ =	shalt  }
0x73: {  	_ =	shalt  }
0x74: {  	_ =	shalt  }
0x75: {  	_ =	shalt  }
0x76: {  	_ =	shalt  }
0x77: {  	_ =	shalt  }
0x78: {  	_ =	shalt  }
0x79: {  	_ =	shalt  }
0x7a: {  	_ =	shalt  }
0x7b: {  	_ =	shalt  }
0x7c: {  	_ =	shalt  }
0x7d: {  	_ =	shalt  }
0x7e: {  	_ =	shalt  }
0x7f: {  	_ =	shalt  }
0x80: {  	_ =	shalt  }
0x81: {  	_ =	shalt  }
0x82: {  	_ =	shalt  }
0x83: {  	_ =	shalt  }
0x84: {  	_ =	shalt  }
0x85: {  	_ =	shalt  }
0x86: {  	_ =	shalt  }
0x87: {  	_ =	shalt  }
.Lfunc_end0:
.L_simem_size_0:
called_computation_lowered:
.L_overlay_start_0:
0x88: {  	s2 =	sld [smem:$0x3FD9]  }
0x89: {  	s3 =	sld [smem:$0x3FFE];
	_ =	sdelay $0x1  }
0x8a: {  	s1 =	srdreg.scid  }
0x8b: {  	s0 =	sand.u32 $0x1, s1  }
0x8c: {  	s17 =	sshll.u32 s0, $0xA;
	s2 =	sadd.s32 s3, s2  }
0x8d: {  	s2 =	sadd.s32 s2, s17  }
0x8e: {  	[smem:$0x3FC4] =	sst s2  }
0x8f: {  	_ = 	snop  }
0x90: {  	s2 =	sld [smem:$0x3FD0];
	(tm) =	ssettm $0x1  }
0x91: {  	s18 =	sld [smem:$0x3FFB];
	_ =	sdelay $0x3  }
0x92: {  	_ =	strace s18  }
0x93: {  	s3 =	sld [smem:$0x3FFC];
	_ =	sdelay $0x3  }
0x94: {  	_ =	strace s3  }
0x95: {  	s3 =	sld [smem:$0x3FFD];
	_ =	sdelay $0x3  }
0x96: {  	_ =	strace s3  }
0x97: {  	_ =	strace $0x8FFFFFFF  }
0x98: {  	s19 =	sld [smem:$0x3FDB];
	_ =	sdelay $0x1  }
0x99: {  	s4 =	simm.s32 $_scs_section_size  }
0x9a: {  	s5 =	simm.s32 $_size__tile_overlayer_lowered;
	s6 =	simm.s32 $_tile_overlayer_lowered  }
0x9b: {  	s22 =	simm.s32 $0x1BFF;
	s21 =	sshll.u32 s6, $0x1;
	s3 =	sadd.s32 s4, s19  }
0x9c: {  	s7 =	simm.s32 $0x0;
	s20 =	sshll.u32 s5, $0x1;
	s5 =	sadd.s32 s21, s3  }
0x9d: {  	[timem:s7], [sflag:s22] =	dma.local [hbm:s5], s20  }
0x9e: {  	_ =	swait.ge [sflag:s22], s20  }
0x9f: {  	s4 =	ssub.s32 $0x0, s20;
	[sflag:s22] =	ssyncset.done $0x0  }
0xa0: {  	[sflag:s22] =	ssyncadd.s32 s4;
	_ =	sdelay $0x1  }
0xa1: {  	s23 =	simm.s32 $0x1B8B  }
0xa2: {  	_ =	swait.ge [sflag:s23], $0x1  }
0xa3: {  	[sflag:s23] =	ssyncset.done $0x0  }
0xa4: {  	s25 =	simm.s32 $0x1B8E;
	s24 =	sld [smem:$0x3FFE];
	[sflag:s23] =	ssyncadd.s32 $0xFFFFFFFF  }
0xa5: {  	s26 =	simm.s32 $execute0_lowered;
	[smem:$0x3FD2] =	sst s25  }
0xa6: {  	s5 =	sshll.u32 s26, $0x1;
	_ =	strace $0x80000046;
	[dreg:$0x1] =	wrdreg $0xFFFFFFFF  }
0xa7: {  	s28 =	simm.s32 $_size_execute0_lowered;
	s3 =	sadd.s32 s3, s5;
	[dreg:$0x0] =	wrdreg $0x0  }
0xa8: {  	s5 =	sshll.u32 s28, $0x1;
	[dreg:$0x2] =	wrdreg s3  }
0xa9: {  	[dreg:$0x3] =	wrdreg s5  }
0xaa: {  	[dreg:$0x4] =	wrdreg $0xC0  }
0xab: {  	_ =	task [dreg:s7], $0x5FFFF  }
0xac: {  	[dreg:$0x1] =	wrdreg $0xFFFFFFFF  }
0xad: {  	[dreg:$0x0] =	wrdreg $0x60  }
0xae: {  	[dreg:$0x2] =	wrdreg s24  }
0xaf: {  	[dreg:$0x3] =	wrdreg s2  }
0xb0: {  	[dreg:$0x4] =	wrdreg $0x9  }
0xb1: {  	_ =	task.clear_ibuf [dreg:s7], $0x5FFFF;
	_ =	strace $0x90000046  }
0xb2: {  	s29 =	simm.s32 $0x9;
	_ =	strace $0x80000048  }
0xb3: {  	_ =	swait.ge [sflag:s29], $0x1  }
0xb4: {  	[sflag:s29] =	ssyncadd.s32 $0xFFFFFFFF  }
0xb5: {  	_ =	strace $0x90000048  }
0xb6: {  	_ =	sfence  }
0xb7: {  	s30 =	sld [smem:$0x0];
	_ =	sdelay $0x2  }
0xb8: {  	s31 =	sshll.u32 s1, $0xD;
	s1 =	sshrl.u32 s1, $0x2  }
0xb9: {  	s3 =	sand.u32 $0x4000, s31;
	s1 =	sadd.s32 s1, s30  }
0xba: {  	s0 =	sor.u32 s3, s0;
	s1 =	sshll.u32 s1, $0x11  }
0xbb: {  	s0 =	sor.u32 s1, s0  }
0xbc: {  	s0 =	sadd.s32 $0x8F2B, s0  }
0xbd: {  	[sflag:s0] =	ssyncadd.remote.s32 $0x1  }
0xbe: {  	_ =	sfence.sel $0xFFFF  }
0xbf: {  	[dreg:$0x0] =	wrdreg $0xFFFFFFFF;
	(pc) =	sbr.abs _section_cstart, $3  }
0xc0: {  	[dreg:$0x1] =	wrdreg $0xFFFFFFFF  }
0xc1: {  	_ =	task.clear_ibuf [dreg:s7], $0x2FFFF;
	_ =	strace $0x9FFFFFFF  }
0xc2: {  	(tm) =	ssettm $0x7FFFFFFF  }
0xc3: {  	_ =	shalt  }
tec
execute0_lowered:
.L_overlay_start_1:
0x0: {  	(tag) =	ssettag $0x1  }
0x1: {  	s3 =	rddreg [dreg:$0x0];
	s1 =	srdreg.scid  }
0x2: {  	s0 =	stileid.u32;
	s9 =	rddreg [dreg:$0x1]  }
0x3: {  	s2 =	simm.s32 $0x0;
	s12 =	simm.s32 $0x3400;
	s14 =	simm.s32 $0x5400  }
0x4: {  	s16 =	simm.s32 $0x7400;
	s17 =	simm.s32 $0x1;
	s18 =	simm.s32 $0x9400  }
0x5: {  	s19 =	simm.s32 $0x2;
	s20 =	simm.s32 $0x4;
	s21 =	simm.s32 $0x5  }
0x6: {  	s22 =	simm.s32 $0x6;
	s23 =	simm.s32 $0x7;
	s10 =	smul.u32 $0x190000, s0  }
0x7: {  	s24 =	simm.s32 $0x8;
	s7 =	sand.u32 $0x1, s1;
	s29 =	smul.u32 $0x32000, s0  }
0x8: {  	s25 =	simm.s32 $0x0;
	s4 =	sshll.u32 s0, $0x1;
	s11 =	smul.u32 $0xC8000, s7  }
0x9: {  	s4 =	sor.u32 s7, s4;
	s6 =	ssub.s32 $0x2, s7;
	s30 =	smul.u32 $0x19000, s7  }
0xa: {  	[smem:$0x7FF] =	sst s2;
	s5 =	smul.u32 $0x680, s4;
	s26 =	sshrl.u32 s6, $0x1  }
0xb: {  	_ =	strace $0x80000047;
	s8 =	smul.u32 $0x19000, s4;
	s6 =	ssub.s32 s6, s26  }
0xc: {  	s10 =	sadd.s32 s11, s10;
	s11 =	simm.s32 $0x40;
	s5 =	sadd.s32 s5, s3  }
.Ltmp0:
0xd: {  	s3 =	sadd.s32 $0xD800, s3;
	s28 =	sadd.s32 s9, s8;
	(pc) =	sbr.rel .LBB2_1-.Ltmp0, $4  }
0xe: {  	s31 =	sshrl.u32 s10, $0x3;
	s8 =	sadd.s32 s29, s9;
	s10 =	sor.u32 $0x6000, s10  }
0xf: {  	s4 =	sadd.s32 $0x800, s5;
	s5 =	smax.u32 s6, $0x1;
	s6 =	sadd.s32 $0x18800, s28  }
0x10: {  	s7 =	sadd.s32 s31, s9;
	s8 =	sadd.s32 s30, s8;
	s10 =	sshrl.u32 s10, $0x3  }
0x11: {  	s8 =	sadd.s32 $0x800, s8;
	s9 =	sadd.s32 s10, s9;
	s10 =	simm.s32 $0x9  }
.LBB2_4:
0x12: {  	_ =	swait.ge [sflag:s21], $0x2000  }
0x13: {  	[sflag:s21] =	ssyncset.done $0x0  }
0x14: {  	[sflag:s21] =	ssyncadd.s32 $0xFFFFE000  }
0x15: {  	_ =	swait.ge [sflag:s22], $0x2000  }
0x16: {  	[sflag:s22] =	ssyncset.done $0x0  }
0x17: {  	s25 =	sadd.s32 $0x1, s25;
	[sflag:s22] =	ssyncadd.s32 $0xFFFFE000  }
0x18: {  	p0 =	sne.s32 s25, s5;
	_ =	swait.ge [sflag:s23], $0x2000  }
.Ltmp1:
0x19: {  	[sflag:s23] =	ssyncset.done $0x0;
	(pc) =	sbr.rel @!p0 .LBB2_5-.Ltmp1, $4  }
0x1a: {  	[sflag:s23] =	ssyncadd.s32 $0xFFFFE000  }
0x1b: {  	_ =	swait.ge [sflag:s24], $0x2000  }
0x1c: {  	[sflag:s24] =	ssyncset.done $0x0  }
0x1d: {  	[sflag:s24] =	ssyncadd.s32 $0xFFFFE000  }
.LBB2_1:
0x1e: {  	[tilespmem:s2], [sflag:$0x9] =	stream.linear.gather [hbm4b:s4+s2], $0x3200, $0x38;
	[tilespmem:$0xB400] =	vst v63  }
0x1f: {  	_ =	swait.ge [sflag:s10], $0x3200  }
0x20: {  	[sflag:s10] =	ssyncset.done $0x0  }
0x21: {  	[sflag:s10] =	ssyncadd.s32 $0xFFFFCE00  }
0x22: {  	[tilespmem:s12], [sflag:$0x1] =	stream.indirect.gather [hbm4b:s3+s11], $0x80, s2, s11, $0xb8;
	[tilespmem:$0xB400] =	vst v63  }
0x23: {  	s0 =	simm.s32 $0x80;
	s31 =	simm.s32 $0x100;
	s26 =	smov.u32 s9  }
0x24: {  	[tilespmem:s14], [sflag:$0x2] =	stream.indirect.gather [hbm4b:s3+s11], $0x80, s0, s11, $0xb8;
	[tilespmem:$0xB400] =	vst v63  }
0x25: {  	s28 =	smov.u32 s8;
	s29 =	smov.u32 s7;
	s30 =	simm.s32 $0x0  }
0x26: {  	[tilespmem:s16], [sflag:$0x3] =	stream.indirect.gather [hbm4b:s3+s11], $0x80, s31, s11, $0xb8;
	[tilespmem:$0xB400] =	vst v63  }
.LBB2_2:
0x27: {  	_ =	swait.ge [sflag:s17], $0x2000  }
0x28: {  	p0 =	seq.s32 s30, $0x0;
	[sflag:s17] =	ssyncset.done $0x0  }
0x29: {  	s1 =	simm.s32 @!p0 $0x8;
	[sflag:s17] =	ssyncadd.s32 $0xFFFFE000  }
0x2a: {  	[hbm4b:s29+s2] =	stream.linear.scatter [tilespmem:s12], [sflag:$0x5], $0x2000, $0x38;
	[tilespmem:$0xB400] =	vst v63  }
0x2b: {  	_ =	swait.ge @!p0 [sflag:s1], $0x2000  }
0x2c: {  	s31 =	sshra.s32 s30, $0x2;
	[sflag:s1] =	ssyncset.done @!p0 $0x0  }
0x2d: {  	s13 =	sadd.s32 $0x180, s31;
	[sflag:s1] =	ssyncadd.s32 @!p0 $0xFFFFE000  }
0x2e: {  	[tilespmem:s18], [sflag:$0x4] =	stream.indirect.gather [hbm4b:s3+s11], $0x80, s13, s11, $0xb8;
	[tilespmem:$0xB400] =	vst v63  }
0x2f: {  	_ =	swait.ge [sflag:s19], $0x2000  }
0x30: {  	p0 =	seq.s32 s30, $0xC000;
	[sflag:s19] =	ssyncset.done $0x0  }
0x31: {  	s15 =	sadd.s32 $0xFFFFFC00, s28;
	s1 =	simm.s32 @p0 $0x3;
	[sflag:s19] =	ssyncadd.s32 $0xFFFFE000  }
0x32: {  	[hbm4b:s15+s2] =	stream.linear.scatter [tilespmem:s14], [sflag:$0x6], $0x2000, $0x38;
	[tilespmem:$0xB400] =	vst v63  }
0x33: {  	_ =	swait.ge @p0 [sflag:s1], $0x2000  }
0x34: {  	[sflag:s1] =	ssyncset.done @p0 $0x0  }
0x35: {  	s0 =	simm.s32 @p0 $0x7400;
	[sflag:s1] =	ssyncadd.s32 @p0 $0xFFFFE000;
	s1 =	simm.s32 @p0 $0x0  }
0x36: {  	[hbm4b:s6+s1] =	stream.linear.scatter @p0 [tilespmem:s0], [sflag:$0x7], $0x2000, $0x38;
	[tilespmem:$0xB400] =	vst v63  }
0x37: {  	s0 =	simm.s32 @!p0 $0x5  }
0x38: {  	_ =	swait.ge @!p0 [sflag:s0], $0x2000  }
0x39: {  	[sflag:s0] =	ssyncset.done @!p0 $0x0  }
0x3a: {  	[sflag:s0] =	ssyncadd.s32 @!p0 $0xFFFFE000;
	s0 =	sshra.s32 @!p0 s30, $0x2  }
0x3b: {  	s13 =	simm.s32 @!p0 $0x40;
	s15 =	simm.s32 @!p0 $0x3400;
	s1 =	sadd.s32 @!p0 $0x200, s0  }
0x3c: {  	[tilespmem:s15], [sflag:$0x1] =	stream.indirect.gather @!p0 [hbm4b:s3+s13], $0x80, s1, s13, $0xb8;
	[tilespmem:$0xB400] =	vst v63  }
0x3d: {  	s1 =	simm.s32 @!p0 $0x3  }
0x3e: {  	_ =	swait.ge @!p0 [sflag:s1], $0x2000  }
0x3f: {  	[sflag:s1] =	ssyncset.done @!p0 $0x0  }
0x40: {  	s15 =	simm.s32 @!p0 $0x7400;
	[sflag:s1] =	ssyncadd.s32 @!p0 $0xFFFFE000;
	s1 =	simm.s32 @!p0 $0x0  }
0x41: {  	[hbm4b:s28+s1] =	stream.linear.scatter @!p0 [tilespmem:s15], [sflag:$0x7], $0x2000, $0x38;
	[tilespmem:$0xB400] =	vst v63  }
0x42: {  	s1 =	simm.s32 @!p0 $0x6  }
0x43: {  	_ =	swait.ge @!p0 [sflag:s1], $0x2000  }
0x44: {  	[sflag:s1] =	ssyncset.done @!p0 $0x0  }
0x45: {  	s0 =	sadd.s32 @!p0 $0x280, s0;
	[sflag:s1] =	ssyncadd.s32 @!p0 $0xFFFFE000;
	s1 =	simm.s32 @!p0 $0x5400  }
0x46: {  	[tilespmem:s1], [sflag:$0x2] =	stream.indirect.gather @!p0 [hbm4b:s3+s13], $0x80, s0, s13, $0xb8;
	[tilespmem:$0xB400] =	vst v63  }
.Ltmp2:
0x47: {  	_ = 	snop;
	(pc) =	sbr.rel @p0 .LBB2_4-.Ltmp2, $4  }
0x48: {  	_ =	swait.ge [sflag:s20], $0x2000  }
0x49: {  	[sflag:s20] =	ssyncset.done $0x0  }
0x4a: {  	[sflag:s20] =	ssyncadd.s32 $0xFFFFE000  }
0x4b: {  	[hbm4b:s26+s2] =	stream.linear.scatter [tilespmem:s18], [sflag:$0x8], $0x2000, $0x38;
	[tilespmem:$0xB400] =	vst v63  }
.Ltmp3:
0x4c: {  	(pc) =	sbr.rel .LBB2_2-.Ltmp3, $4  }
0x4d: {  	_ =	swait.ge [sflag:s23], $0x2000;
	s0 =	sadd.s32 $0x300, s31  }
0x4e: {  	s30 =	sadd.s32 $0x800, s30;
	s29 =	sadd.s32 $0x1000, s29;
	[sflag:s23] =	ssyncset.done $0x0  }
0x4f: {  	s28 =	sadd.s32 $0x1000, s28;
	s26 =	sadd.s32 $0x1000, s26;
	[sflag:s23] =	ssyncadd.s32 $0xFFFFE000  }
0x50: {  	[tilespmem:s16], [sflag:$0x3] =	stream.indirect.gather [hbm4b:s3+s11], $0x80, s0, s11, $0xb8;
	[tilespmem:$0xB400] =	vst v63  }
.LBB2_5:
0x51: {  	_ =	sfence.sel $0x180000  }
0x52: {  	[bflag:$0x0] =	sbarrier.arrive $0xFFFF  }
0x53: {  	_ =	strace $0x90000047  }
0x54: {  	s0 =	stileid.u32;
	[bflag:$0x2] =	sbarrier.arrive $0xFFFF  }
0x55: {  	p0 =	sne.s32 s0, $0x0;
	s0 =	rddreg [dreg:$0x2]  }
0x56: {  	s0 =	sadd.s32 @!p0 $0x100000, s0  }
0x57: {  	[sflag:s0] =	ssyncadd.tile.s32 @!p0 $0x1;
	_ =	shalt  }
.Lfunc_end2:
_tile_overlayer_lowered:
.L_overlay_start_2:
0x58: {  	(tag) =	ssettag $0x2  }
0x59: {  	s0 =	rddreg [dreg:$0x0];
	s2 =	stileid.u32  }
0x5a: {  	s1 =	rddreg [dreg:$0x1];
	p0 =	sne.s32 s2, $0x0  }
0x5b: {  	s3 =	rddreg [dreg:$0x2];
	[bflag:$0x3] =	sbarrier.arrive $0xFFFF;
	s2 =	simm.s32 @!p0 $0x1C09  }
0x5c: {  	[timem:s3], [sflag:s2] =	dma.local @!p0 [hbm:s0], s1  }
0x5d: {  	s0 =	simm.s32 @!p0 $0x9  }
0x5e: {  	_ =	swait.ge @!p0 [sflag:s0], s1  }
0x5f: {  	s1 =	ssub.s32 @!p0 $0x0, s1;
	[sflag:s0] =	ssyncset.done @!p0 $0x0  }
0x60: {  	[sflag:s0] =	ssyncadd.s32 @!p0 s1  }
0x61: {  	[bflag:$0x3] =	sbarrier.arrive $0xFFFF  }
0x62: {  	_ =	shalt  }

</sc_bundles>
